<compile_context>
chip_gen: v7x
topology: tpu7x:2x2x1
jax: 0.10.2.dev20260603
libtpu: 0.0.44.dev20260713+nightly
codegen_flags: <defaults>
</compile_context>

<pallas_src>
import functools

import jax
import jax.numpy as jnp
from jax import lax
from jax.experimental import pallas as pl
from jax.experimental.pallas import tpu as pltpu
from jax.experimental.pallas import tpu_sc as plsc

CHUNK = 128


@functools.lru_cache(maxsize=None)
def _make_kernel(n_workers, n_chunks, embed):
    b_per_w = n_chunks * CHUNK
    total = n_workers * b_per_w
    mesh = plsc.VectorSubcoreMesh(core_axis_name="c", subcore_axis_name="s")
    info = plsc.get_sparse_core_info()
    num_cores = info.num_cores

    NBUF = 5
    assert n_chunks % NBUF == 0 and n_chunks >= 2 * NBUF

    @functools.partial(
        pl.kernel,
        mesh=mesh,
        out_type=jax.ShapeDtypeStruct((total, embed), jnp.float32),
        scratch_types=[
            pltpu.VMEM((n_chunks, CHUNK), jnp.int32),
        ]
        + [pltpu.VMEM((CHUNK, embed), jnp.float32) for _ in range(NBUF)]
        + [pltpu.SemaphoreType.DMA for _ in range(2 * NBUF)],
    )
    def k(idx_hbm, table_hbm, out_hbm, idx_v, *bufs_and_sems):
        rows = bufs_and_sems[:NBUF]
        gsems = bufs_and_sems[NBUF : 2 * NBUF]
        osems = bufs_and_sems[2 * NBUF :]
        wid = lax.axis_index("s") * num_cores + lax.axis_index("c")
        base = wid * b_per_w
        pltpu.sync_copy(idx_hbm.at[wid], idx_v)

        def out_at(g):
            return out_hbm.at[pl.ds(pl.multiple_of(base + g * CHUNK, 8), CHUNK)]

        def fire_gather(g, b):
            pltpu.async_copy(table_hbm.at[idx_v.at[g]], rows[b], gsems[b])

        def wait_gather(g, b):
            pltpu.make_async_copy(table_hbm.at[idx_v.at[g]], rows[b], gsems[b]).wait()

        def fire_write(g, b):
            pltpu.async_copy(rows[b], out_at(g), osems[b])

        def wait_write(g, b):
            pltpu.make_async_copy(rows[b], out_at(g), osems[b]).wait()

        LEAD = 3
        WLAG = NBUF - LEAD

        def step(g):
            wait_gather(g, g % NBUF)
            fire_write(g, g % NBUF)
            if g >= WLAG:
                wait_write(g - WLAG, (g - WLAG) % NBUF)
            if g + LEAD < n_chunks:
                fire_gather(g + LEAD, (g + LEAD) % NBUF)

        for g in range(LEAD):
            fire_gather(g, g)
        for g in range(WLAG):
            step(g)

        def body(i, carry):
            g0 = WLAG + i * NBUF
            for p in range(NBUF):
                g = g0 + p
                b = (WLAG + p) % NBUF
                wait_gather(g, b)
                fire_write(g, b)
                wait_write(g - WLAG, p % NBUF)
                fire_gather(g + LEAD, (WLAG + p + LEAD) % NBUF)
            return carry

        lax.fori_loop(0, (n_chunks - NBUF) // NBUF, body, 0)
        for g in range(n_chunks - LEAD, n_chunks):
            step(g)
        for g in range(n_chunks - WLAG, n_chunks):
            wait_write(g, g % NBUF)

    return k


def kernel(seq, table):
    n_tokens = seq.shape[0] * seq.shape[1]
    n_workers = 32
    n_chunks = n_tokens // (n_workers * CHUNK)
    idx = seq.reshape(n_workers, n_chunks, CHUNK).astype(jnp.int32)
    out = _make_kernel(n_workers, n_chunks, table.shape[1])(idx, table)
    return out.reshape(seq.shape[0], seq.shape[1], table.shape[1])

# --- scband reference (transcript-rebuilt; emitter-appended) ---
"""Pipeline reference for scband-bertembedding-8366596293129 (READ-ONLY COPY).

The authoritative reference and input builder live on the scoring server;
editing this copy changes nothing except your own understanding.
"""

import jax, jax.numpy as jnp
import numpy as np
import math

VOCAB_SIZE = 100000
EMBED_SIZE = 128
MAX_LEN = 512


def _positional_embedding(d_model, max_len=MAX_LEN):
    position = np.arange(0, max_len, dtype=np.float32)[:, None]
    div_term = np.exp(np.arange(0, d_model, 2, dtype=np.float32) * -(math.log(10000.0) / d_model))
    pe = np.zeros((max_len, d_model), dtype=np.float32)
    pe[:, 0::2] = np.sin(position * div_term)
    pe[:, 1::2] = np.cos(position * div_term)
    return jnp.asarray(pe)


def setup_inputs(seed: int = 0) -> dict:
    key = jax.random.key(seed)
    k1, k2 = jax.random.split(key)
    seq = jax.random.randint(k1, (1024, 200), 0, VOCAB_SIZE, dtype=jnp.int64 if jax.config.jax_enable_x64 else jnp.int32)
    # Embedding table; padding_idx=0 row is zeroed (as nn.Embedding does at init)
    table = jax.random.normal(k2, (VOCAB_SIZE, EMBED_SIZE), dtype=jnp.float32)
    table = table.at[0].set(0.0)
    return {"seq": seq, "table": table}


def reference(seq, table):
    # BERTEmbedding.forward with default pos=False: just token embedding lookup
    out = jnp.take(table, seq, axis=0)
    return out

if __name__ == "__main__":
    import jax
    _d = setup_inputs()
    print(jax.jit(kernel)(*tuple(_d.values())))

</pallas_src>

<mosaic_0001>
#map = affine_map<(d0, d1) -> (0, 0, 0)>
#map1 = affine_map<(d0, d1) -> (0, 0)>
module attributes {stable_mosaic.version = 14 : i64} {
  func.func @k(%arg0: i32, %arg1: i32, %arg2: memref<32x50x128xi32, #tpu.memory_space<hbm>>, %arg3: memref<100000x128xf32, #tpu.memory_space<hbm>>, %arg4: memref<204800x128xf32, #tpu.memory_space<hbm>>, %arg5: memref<50x128xi32, #tpu.memory_space<vmem>>, %arg6: memref<128x128xf32, #tpu.memory_space<vmem>>, %arg7: memref<128x128xf32, #tpu.memory_space<vmem>>, %arg8: memref<128x128xf32, #tpu.memory_space<vmem>>, %arg9: memref<128x128xf32, #tpu.memory_space<vmem>>, %arg10: memref<128x128xf32, #tpu.memory_space<vmem>>, %arg11: memref<!tpu.dma_semaphore, #tpu.memory_space<semaphore_mem>>, %arg12: memref<!tpu.dma_semaphore, #tpu.memory_space<semaphore_mem>>, %arg13: memref<!tpu.dma_semaphore, #tpu.memory_space<semaphore_mem>>, %arg14: memref<!tpu.dma_semaphore, #tpu.memory_space<semaphore_mem>>, %arg15: memref<!tpu.dma_semaphore, #tpu.memory_space<semaphore_mem>>, %arg16: memref<!tpu.dma_semaphore, #tpu.memory_space<semaphore_mem>>, %arg17: memref<!tpu.dma_semaphore, #tpu.memory_space<semaphore_mem>>, %arg18: memref<!tpu.dma_semaphore, #tpu.memory_space<semaphore_mem>>, %arg19: memref<!tpu.dma_semaphore, #tpu.memory_space<semaphore_mem>>, %arg20: memref<!tpu.dma_semaphore, #tpu.memory_space<semaphore_mem>>) attributes {dimension_semantics = [#tpu.dimension_semantics<core_parallel>, #tpu.dimension_semantics<subcore_parallel>], iteration_bounds = array<i64: 2, 16>, scalar_prefetch = 0 : i64, scratch_operands = 16 : i64, tpu.core_type = #tpu.core_type<sc_vector_subcore>, window_params = [{transform_indices = #map}, {transform_indices = #map1}, {transform_indices = #map1}]} {
    %mul3A = arith.constant 2 : i32
    %mul3A_0 = arith.muli %arg1, %mul3A : i32
    %add3A = arith.addi %mul3A_0, %arg0 : i32
    %mul3A_1 = arith.constant 6400 : i32
    %mul3A_2 = arith.muli %add3A, %mul3A_1 : i32
    "tpu.region"() ({
      %run_scoped3A = tpu.sem_alloc : memref<!tpu.dma_semaphore, #tpu.memory_space<semaphore_mem>>
      %dma_start3A_145 = arith.constant 0 : i32
      %dma_start3A_146 = arith.constant 0 : i32
      %dma_start3A_147 = tpu.memref_slice %arg2[%add3A, %dma_start3A_145, %dma_start3A_146] : memref<32x50x128xi32, #tpu.memory_space<hbm>> -> memref<1x50x128xi32, #tpu.memory_space<hbm>>
      %dma_start3A_148 = tpu.memref_squeeze %dma_start3A_147 : memref<1x50x128xi32, #tpu.memory_space<hbm>> -> memref<50x128xi32, #tpu.memory_space<hbm>>
      %dma_start3A_149 = arith.constant 0 : i32
      %dma_start3A_150 = arith.constant 0 : i32
      %dma_start3A_151 = tpu.memref_slice %arg2[%add3A, %dma_start3A_149, %dma_start3A_150] : memref<32x50x128xi32, #tpu.memory_space<hbm>> -> memref<1x50x128xi32, #tpu.memory_space<hbm>>
      %dma_start3A_152 = tpu.memref_squeeze %dma_start3A_151 : memref<1x50x128xi32, #tpu.memory_space<hbm>> -> memref<50x128xi32, #tpu.memory_space<hbm>>
      tpu.enqueue_dma source(%dma_start3A_152 : memref<50x128xi32, #tpu.memory_space<hbm>>) target(%arg5 : memref<50x128xi32, #tpu.memory_space<vmem>>) target_semaphore(%run_scoped3A : memref<!tpu.dma_semaphore, #tpu.memory_space<semaphore_mem>>)
      %dma_wait3A_153 = arith.constant 0 : i32
      %dma_wait3A_154 = arith.constant 0 : i32
      %dma_wait3A_155 = tpu.memref_slice %arg2[%add3A, %dma_wait3A_153, %dma_wait3A_154] : memref<32x50x128xi32, #tpu.memory_space<hbm>> -> memref<1x50x128xi32, #tpu.memory_space<hbm>>
      %dma_wait3A_156 = tpu.memref_squeeze %dma_wait3A_155 : memref<1x50x128xi32, #tpu.memory_space<hbm>> -> memref<50x128xi32, #tpu.memory_space<hbm>>
      %dma_wait3A_157 = arith.constant 0 : i32
      %dma_wait3A_158 = arith.constant 0 : i32
      %dma_wait3A_159 = tpu.memref_slice %arg2[%add3A, %dma_wait3A_157, %dma_wait3A_158] : memref<32x50x128xi32, #tpu.memory_space<hbm>> -> memref<1x50x128xi32, #tpu.memory_space<hbm>>
      %dma_wait3A_160 = tpu.memref_squeeze %dma_wait3A_159 : memref<1x50x128xi32, #tpu.memory_space<hbm>> -> memref<50x128xi32, #tpu.memory_space<hbm>>
      tpu.wait_dma2 semaphore(%run_scoped3A : memref<!tpu.dma_semaphore, #tpu.memory_space<semaphore_mem>>) src(%dma_wait3A_160 : memref<50x128xi32, #tpu.memory_space<hbm>>) dst(%arg5 : memref<50x128xi32, #tpu.memory_space<vmem>>)
      tpu.yield
    }) : () -> ()
    %dma_start3A = arith.constant 0 : i32
    %dma_start3A_3 = arith.constant 0 : i32
    %dma_start3A_4 = tpu.memref_slice %arg5[%dma_start3A, %dma_start3A_3] : memref<50x128xi32, #tpu.memory_space<vmem>> -> memref<1x128xi32, #tpu.memory_space<vmem>>
    %dma_start3A_5 = tpu.memref_squeeze %dma_start3A_4 : memref<1x128xi32, #tpu.memory_space<vmem>> -> memref<128xi32, #tpu.memory_space<vmem>>
    %dma_start3A_6 = arith.constant 0 : i32
    %dma_start3A_7 = arith.constant 0 : i32
    %dma_start3A_8 = tpu.memref_slice %arg3[%dma_start3A_6, %dma_start3A_7] : memref<100000x128xf32, #tpu.memory_space<hbm>> -> memref<100000x128xf32, #tpu.memory_space<hbm>>
    tpu.enqueue_indirect_dma source(%dma_start3A_8 : memref<100000x128xf32, #tpu.memory_space<hbm>>) target(%arg6 : memref<128x128xf32, #tpu.memory_space<vmem>>) offsets(%dma_start3A_5 : memref<128xi32, #tpu.memory_space<vmem>>) semaphore(%arg11 : memref<!tpu.dma_semaphore, #tpu.memory_space<semaphore_mem>>)
    %dma_start3A_9 = arith.constant 1 : i32
    %dma_start3A_10 = arith.constant 0 : i32
    %dma_start3A_11 = tpu.memref_slice %arg5[%dma_start3A_9, %dma_start3A_10] : memref<50x128xi32, #tpu.memory_space<vmem>> -> memref<1x128xi32, #tpu.memory_space<vmem>>
    %dma_start3A_12 = tpu.memref_squeeze %dma_start3A_11 : memref<1x128xi32, #tpu.memory_space<vmem>> -> memref<128xi32, #tpu.memory_space<vmem>>
    %dma_start3A_13 = arith.constant 0 : i32
    %dma_start3A_14 = arith.constant 0 : i32
    %dma_start3A_15 = tpu.memref_slice %arg3[%dma_start3A_13, %dma_start3A_14] : memref<100000x128xf32, #tpu.memory_space<hbm>> -> memref<100000x128xf32, #tpu.memory_space<hbm>>
    tpu.enqueue_indirect_dma source(%dma_start3A_15 : memref<100000x128xf32, #tpu.memory_space<hbm>>) target(%arg7 : memref<128x128xf32, #tpu.memory_space<vmem>>) offsets(%dma_start3A_12 : memref<128xi32, #tpu.memory_space<vmem>>) semaphore(%arg12 : memref<!tpu.dma_semaphore, #tpu.memory_space<semaphore_mem>>)
    %dma_start3A_16 = arith.constant 2 : i32
    %dma_start3A_17 = arith.constant 0 : i32
    %dma_start3A_18 = tpu.memref_slice %arg5[%dma_start3A_16, %dma_start3A_17] : memref<50x128xi32, #tpu.memory_space<vmem>> -> memref<1x128xi32, #tpu.memory_space<vmem>>
    %dma_start3A_19 = tpu.memref_squeeze %dma_start3A_18 : memref<1x128xi32, #tpu.memory_space<vmem>> -> memref<128xi32, #tpu.memory_space<vmem>>
    %dma_start3A_20 = arith.constant 0 : i32
    %dma_start3A_21 = arith.constant 0 : i32
    %dma_start3A_22 = tpu.memref_slice %arg3[%dma_start3A_20, %dma_start3A_21] : memref<100000x128xf32, #tpu.memory_space<hbm>> -> memref<100000x128xf32, #tpu.memory_space<hbm>>
    tpu.enqueue_indirect_dma source(%dma_start3A_22 : memref<100000x128xf32, #tpu.memory_space<hbm>>) target(%arg8 : memref<128x128xf32, #tpu.memory_space<vmem>>) offsets(%dma_start3A_19 : memref<128xi32, #tpu.memory_space<vmem>>) semaphore(%arg13 : memref<!tpu.dma_semaphore, #tpu.memory_space<semaphore_mem>>)
    %dma_wait3A = arith.constant 0 : i32
    %dma_wait3A_23 = arith.constant 0 : i32
    %dma_wait3A_24 = tpu.memref_slice %arg5[%dma_wait3A, %dma_wait3A_23] : memref<50x128xi32, #tpu.memory_space<vmem>> -> memref<1x128xi32, #tpu.memory_space<vmem>>
    %dma_wait3A_25 = tpu.memref_squeeze %dma_wait3A_24 : memref<1x128xi32, #tpu.memory_space<vmem>> -> memref<128xi32, #tpu.memory_space<vmem>>
    %dma_wait3A_26 = arith.constant 0 : i32
    %dma_wait3A_27 = arith.constant 0 : i32
    %dma_wait3A_28 = tpu.memref_slice %arg3[%dma_wait3A_26, %dma_wait3A_27] : memref<100000x128xf32, #tpu.memory_space<hbm>> -> memref<100000x128xf32, #tpu.memory_space<hbm>>
    tpu.wait_indirect_dma semaphore(%arg11 : memref<!tpu.dma_semaphore, #tpu.memory_space<semaphore_mem>>) src(%dma_wait3A_28 : memref<100000x128xf32, #tpu.memory_space<hbm>>) dst(%arg6 : memref<128x128xf32, #tpu.memory_space<vmem>>)
    %add3A_29 = arith.constant 0 : i32
    %add3A_30 = arith.addi %mul3A_2, %add3A_29 : i32
    %multiple_of3A = tpu.assume_multiple %add3A_30, 8 : i32
    %dma_start3A_31 = arith.constant 0 : i32
    %dma_start3A_32 = tpu.memref_slice %arg4[%multiple_of3A, %dma_start3A_31] : memref<204800x128xf32, #tpu.memory_space<hbm>> -> memref<128x128xf32, #tpu.memory_space<hbm>>
    %dma_start3A_33 = arith.constant 0 : i32
    %dma_start3A_34 = tpu.memref_slice %arg4[%multiple_of3A, %dma_start3A_33] : memref<204800x128xf32, #tpu.memory_space<hbm>> -> memref<128x128xf32, #tpu.memory_space<hbm>>
    tpu.enqueue_dma source(%arg6 : memref<128x128xf32, #tpu.memory_space<vmem>>) target(%dma_start3A_34 : memref<128x128xf32, #tpu.memory_space<hbm>>) target_semaphore(%arg16 : memref<!tpu.dma_semaphore, #tpu.memory_space<semaphore_mem>>)
    %dma_start3A_35 = arith.constant 3 : i32
    %dma_start3A_36 = arith.constant 0 : i32
    %dma_start3A_37 = tpu.memref_slice %arg5[%dma_start3A_35, %dma_start3A_36] : memref<50x128xi32, #tpu.memory_space<vmem>> -> memref<1x128xi32, #tpu.memory_space<vmem>>
    %dma_start3A_38 = tpu.memref_squeeze %dma_start3A_37 : memref<1x128xi32, #tpu.memory_space<vmem>> -> memref<128xi32, #tpu.memory_space<vmem>>
    %dma_start3A_39 = arith.constant 0 : i32
    %dma_start3A_40 = arith.constant 0 : i32
    %dma_start3A_41 = tpu.memref_slice %arg3[%dma_start3A_39, %dma_start3A_40] : memref<100000x128xf32, #tpu.memory_space<hbm>> -> memref<100000x128xf32, #tpu.memory_space<hbm>>
    tpu.enqueue_indirect_dma source(%dma_start3A_41 : memref<100000x128xf32, #tpu.memory_space<hbm>>) target(%arg9 : memref<128x128xf32, #tpu.memory_space<vmem>>) offsets(%dma_start3A_38 : memref<128xi32, #tpu.memory_space<vmem>>) semaphore(%arg14 : memref<!tpu.dma_semaphore, #tpu.memory_space<semaphore_mem>>)
    %dma_wait3A_42 = arith.constant 1 : i32
    %dma_wait3A_43 = arith.constant 0 : i32
    %dma_wait3A_44 = tpu.memref_slice %arg5[%dma_wait3A_42, %dma_wait3A_43] : memref<50x128xi32, #tpu.memory_space<vmem>> -> memref<1x128xi32, #tpu.memory_space<vmem>>
    %dma_wait3A_45 = tpu.memref_squeeze %dma_wait3A_44 : memref<1x128xi32, #tpu.memory_space<vmem>> -> memref<128xi32, #tpu.memory_space<vmem>>
    %dma_wait3A_46 = arith.constant 0 : i32
    %dma_wait3A_47 = arith.constant 0 : i32
    %dma_wait3A_48 = tpu.memref_slice %arg3[%dma_wait3A_46, %dma_wait3A_47] : memref<100000x128xf32, #tpu.memory_space<hbm>> -> memref<100000x128xf32, #tpu.memory_space<hbm>>
    tpu.wait_indirect_dma semaphore(%arg12 : memref<!tpu.dma_semaphore, #tpu.memory_space<semaphore_mem>>) src(%dma_wait3A_48 : memref<100000x128xf32, #tpu.memory_space<hbm>>) dst(%arg7 : memref<128x128xf32, #tpu.memory_space<vmem>>)
    %add3A_49 = arith.constant 128 : i32
    %add3A_50 = arith.addi %mul3A_2, %add3A_49 : i32
    %multiple_of3A_51 = tpu.assume_multiple %add3A_50, 8 : i32
    %dma_start3A_52 = arith.constant 0 : i32
    %dma_start3A_53 = tpu.memref_slice %arg4[%multiple_of3A_51, %dma_start3A_52] : memref<204800x128xf32, #tpu.memory_space<hbm>> -> memref<128x128xf32, #tpu.memory_space<hbm>>
    %dma_start3A_54 = arith.constant 0 : i32
    %dma_start3A_55 = tpu.memref_slice %arg4[%multiple_of3A_51, %dma_start3A_54] : memref<204800x128xf32, #tpu.memory_space<hbm>> -> memref<128x128xf32, #tpu.memory_space<hbm>>
    tpu.enqueue_dma source(%arg7 : memref<128x128xf32, #tpu.memory_space<vmem>>) target(%dma_start3A_55 : memref<128x128xf32, #tpu.memory_space<hbm>>) target_semaphore(%arg17 : memref<!tpu.dma_semaphore, #tpu.memory_space<semaphore_mem>>)
    %dma_start3A_56 = arith.constant 4 : i32
    %dma_start3A_57 = arith.constant 0 : i32
    %dma_start3A_58 = tpu.memref_slice %arg5[%dma_start3A_56, %dma_start3A_57] : memref<50x128xi32, #tpu.memory_space<vmem>> -> memref<1x128xi32, #tpu.memory_space<vmem>>
    %dma_start3A_59 = tpu.memref_squeeze %dma_start3A_58 : memref<1x128xi32, #tpu.memory_space<vmem>> -> memref<128xi32, #tpu.memory_space<vmem>>
    %dma_start3A_60 = arith.constant 0 : i32
    %dma_start3A_61 = arith.constant 0 : i32
    %dma_start3A_62 = tpu.memref_slice %arg3[%dma_start3A_60, %dma_start3A_61] : memref<100000x128xf32, #tpu.memory_space<hbm>> -> memref<100000x128xf32, #tpu.memory_space<hbm>>
    tpu.enqueue_indirect_dma source(%dma_start3A_62 : memref<100000x128xf32, #tpu.memory_space<hbm>>) target(%arg10 : memref<128x128xf32, #tpu.memory_space<vmem>>) offsets(%dma_start3A_59 : memref<128xi32, #tpu.memory_space<vmem>>) semaphore(%arg15 : memref<!tpu.dma_semaphore, #tpu.memory_space<semaphore_mem>>)
    %scan3A = arith.constant 0 : i32
    %scan3A_63 = arith.constant 0 : i32
    %scan3A_64 = arith.constant 9 : i32
    %scan3A_65 = arith.addi %scan3A_63, %scan3A_64 : i32
    %scan3A_66 = arith.constant 1 : i32
    scf.for %scan3A_145 = %scan3A_63 to %scan3A_65 step %scan3A_66  : i32 {
      %mul3A_146 = arith.constant 5 : i32
      %mul3A_147 = arith.muli %scan3A_145, %mul3A_146 : i32
      %add3A_148 = arith.constant 2 : i32
      %add3A_149 = arith.addi %add3A_148, %mul3A_147 : i32
      %add3A_150 = arith.constant 0 : i32
      %add3A_151 = arith.addi %add3A_149, %add3A_150 : i32
      %dma_wait3A_152 = arith.constant 0 : i32
      %dma_wait3A_153 = tpu.memref_slice %arg5[%add3A_151, %dma_wait3A_152] : memref<50x128xi32, #tpu.memory_space<vmem>> -> memref<1x128xi32, #tpu.memory_space<vmem>>
      %dma_wait3A_154 = tpu.memref_squeeze %dma_wait3A_153 : memref<1x128xi32, #tpu.memory_space<vmem>> -> memref<128xi32, #tpu.memory_space<vmem>>
      %dma_wait3A_155 = arith.constant 0 : i32
      %dma_wait3A_156 = arith.constant 0 : i32
      %dma_wait3A_157 = tpu.memref_slice %arg3[%dma_wait3A_155, %dma_wait3A_156] : memref<100000x128xf32, #tpu.memory_space<hbm>> -> memref<100000x128xf32, #tpu.memory_space<hbm>>
      tpu.wait_indirect_dma semaphore(%arg13 : memref<!tpu.dma_semaphore, #tpu.memory_space<semaphore_mem>>) src(%dma_wait3A_157 : memref<100000x128xf32, #tpu.memory_space<hbm>>) dst(%arg8 : memref<128x128xf32, #tpu.memory_space<vmem>>)
      %mul3A_158 = arith.constant 128 : i32
      %mul3A_159 = arith.muli %add3A_151, %mul3A_158 : i32
      %add3A_160 = arith.addi %mul3A_2, %mul3A_159 : i32
      %multiple_of3A_161 = tpu.assume_multiple %add3A_160, 8 : i32
      %dma_start3A_162 = arith.constant 0 : i32
      %dma_start3A_163 = tpu.memref_slice %arg4[%multiple_of3A_161, %dma_start3A_162] : memref<204800x128xf32, #tpu.memory_space<hbm>> -> memref<128x128xf32, #tpu.memory_space<hbm>>
      %dma_start3A_164 = arith.constant 0 : i32
      %dma_start3A_165 = tpu.memref_slice %arg4[%multiple_of3A_161, %dma_start3A_164] : memref<204800x128xf32, #tpu.memory_space<hbm>> -> memref<128x128xf32, #tpu.memory_space<hbm>>
      tpu.enqueue_dma source(%arg8 : memref<128x128xf32, #tpu.memory_space<vmem>>) target(%dma_start3A_165 : memref<128x128xf32, #tpu.memory_space<hbm>>) target_semaphore(%arg18 : memref<!tpu.dma_semaphore, #tpu.memory_space<semaphore_mem>>)
      %sub3A = arith.constant 2 : i32
      %sub3A_166 = arith.subi %add3A_151, %sub3A : i32
      %mul3A_167 = arith.constant 128 : i32
      %mul3A_168 = arith.muli %sub3A_166, %mul3A_167 : i32
      %add3A_169 = arith.addi %mul3A_2, %mul3A_168 : i32
      %multiple_of3A_170 = tpu.assume_multiple %add3A_169, 8 : i32
      %dma_wait3A_171 = arith.constant 0 : i32
      %dma_wait3A_172 = tpu.memref_slice %arg4[%multiple_of3A_170, %dma_wait3A_171] : memref<204800x128xf32, #tpu.memory_space<hbm>> -> memref<128x128xf32, #tpu.memory_space<hbm>>
      %dma_wait3A_173 = arith.constant 0 : i32
      %dma_wait3A_174 = tpu.memref_slice %arg4[%multiple_of3A_170, %dma_wait3A_173] : memref<204800x128xf32, #tpu.memory_space<hbm>> -> memref<128x128xf32, #tpu.memory_space<hbm>>
      tpu.wait_dma2 semaphore(%arg16 : memref<!tpu.dma_semaphore, #tpu.memory_space<semaphore_mem>>) src(%arg6 : memref<128x128xf32, #tpu.memory_space<vmem>>) dst(%dma_wait3A_174 : memref<128x128xf32, #tpu.memory_space<hbm>>)
      %add3A_175 = arith.constant 3 : i32
      %add3A_176 = arith.addi %add3A_151, %add3A_175 : i32
      %dma_start3A_177 = arith.constant 0 : i32
      %dma_start3A_178 = tpu.memref_slice %arg5[%add3A_176, %dma_start3A_177] : memref<50x128xi32, #tpu.memory_space<vmem>> -> memref<1x128xi32, #tpu.memory_space<vmem>>
      %dma_start3A_179 = tpu.memref_squeeze %dma_start3A_178 : memref<1x128xi32, #tpu.memory_space<vmem>> -> memref<128xi32, #tpu.memory_space<vmem>>
      %dma_start3A_180 = arith.constant 0 : i32
      %dma_start3A_181 = arith.constant 0 : i32
      %dma_start3A_182 = tpu.memref_slice %arg3[%dma_start3A_180, %dma_start3A_181] : memref<100000x128xf32, #tpu.memory_space<hbm>> -> memref<100000x128xf32, #tpu.memory_space<hbm>>
      tpu.enqueue_indirect_dma source(%dma_start3A_182 : memref<100000x128xf32, #tpu.memory_space<hbm>>) target(%arg6 : memref<128x128xf32, #tpu.memory_space<vmem>>) offsets(%dma_start3A_179 : memref<128xi32, #tpu.memory_space<vmem>>) semaphore(%arg11 : memref<!tpu.dma_semaphore, #tpu.memory_space<semaphore_mem>>)
      %add3A_183 = arith.constant 1 : i32
      %add3A_184 = arith.addi %add3A_149, %add3A_183 : i32
      %dma_wait3A_185 = arith.constant 0 : i32
      %dma_wait3A_186 = tpu.memref_slice %arg5[%add3A_184, %dma_wait3A_185] : memref<50x128xi32, #tpu.memory_space<vmem>> -> memref<1x128xi32, #tpu.memory_space<vmem>>
      %dma_wait3A_187 = tpu.memref_squeeze %dma_wait3A_186 : memref<1x128xi32, #tpu.memory_space<vmem>> -> memref<128xi32, #tpu.memory_space<vmem>>
      %dma_wait3A_188 = arith.constant 0 : i32
      %dma_wait3A_189 = arith.constant 0 : i32
      %dma_wait3A_190 = tpu.memref_slice %arg3[%dma_wait3A_188, %dma_wait3A_189] : memref<100000x128xf32, #tpu.memory_space<hbm>> -> memref<100000x128xf32, #tpu.memory_space<hbm>>
      tpu.wait_indirect_dma semaphore(%arg14 : memref<!tpu.dma_semaphore, #tpu.memory_space<semaphore_mem>>) src(%dma_wait3A_190 : memref<100000x128xf32, #tpu.memory_space<hbm>>) dst(%arg9 : memref<128x128xf32, #tpu.memory_space<vmem>>)
      %mul3A_191 = arith.constant 128 : i32
      %mul3A_192 = arith.muli %add3A_184, %mul3A_191 : i32
      %add3A_193 = arith.addi %mul3A_2, %mul3A_192 : i32
      %multiple_of3A_194 = tpu.assume_multiple %add3A_193, 8 : i32
      %dma_start3A_195 = arith.constant 0 : i32
      %dma_start3A_196 = tpu.memref_slice %arg4[%multiple_of3A_194, %dma_start3A_195] : memref<204800x128xf32, #tpu.memory_space<hbm>> -> memref<128x128xf32, #tpu.memory_space<hbm>>
      %dma_start3A_197 = arith.constant 0 : i32
      %dma_start3A_198 = tpu.memref_slice %arg4[%multiple_of3A_194, %dma_start3A_197] : memref<204800x128xf32, #tpu.memory_space<hbm>> -> memref<128x128xf32, #tpu.memory_space<hbm>>
      tpu.enqueue_dma source(%arg9 : memref<128x128xf32, #tpu.memory_space<vmem>>) target(%dma_start3A_198 : memref<128x128xf32, #tpu.memory_space<hbm>>) target_semaphore(%arg19 : memref<!tpu.dma_semaphore, #tpu.memory_space<semaphore_mem>>)
      %sub3A_199 = arith.constant 2 : i32
      %sub3A_200 = arith.subi %add3A_184, %sub3A_199 : i32
      %mul3A_201 = arith.constant 128 : i32
      %mul3A_202 = arith.muli %sub3A_200, %mul3A_201 : i32
      %add3A_203 = arith.addi %mul3A_2, %mul3A_202 : i32
      %multiple_of3A_204 = tpu.assume_multiple %add3A_203, 8 : i32
      %dma_wait3A_205 = arith.constant 0 : i32
      %dma_wait3A_206 = tpu.memref_slice %arg4[%multiple_of3A_204, %dma_wait3A_205] : memref<204800x128xf32, #tpu.memory_space<hbm>> -> memref<128x128xf32, #tpu.memory_space<hbm>>
      %dma_wait3A_207 = arith.constant 0 : i32
      %dma_wait3A_208 = tpu.memref_slice %arg4[%multiple_of3A_204, %dma_wait3A_207] : memref<204800x128xf32, #tpu.memory_space<hbm>> -> memref<128x128xf32, #tpu.memory_space<hbm>>
      tpu.wait_dma2 semaphore(%arg17 : memref<!tpu.dma_semaphore, #tpu.memory_space<semaphore_mem>>) src(%arg7 : memref<128x128xf32, #tpu.memory_space<vmem>>) dst(%dma_wait3A_208 : memref<128x128xf32, #tpu.memory_space<hbm>>)
      %add3A_209 = arith.constant 3 : i32
      %add3A_210 = arith.addi %add3A_184, %add3A_209 : i32
      %dma_start3A_211 = arith.constant 0 : i32
      %dma_start3A_212 = tpu.memref_slice %arg5[%add3A_210, %dma_start3A_211] : memref<50x128xi32, #tpu.memory_space<vmem>> -> memref<1x128xi32, #tpu.memory_space<vmem>>
      %dma_start3A_213 = tpu.memref_squeeze %dma_start3A_212 : memref<1x128xi32, #tpu.memory_space<vmem>> -> memref<128xi32, #tpu.memory_space<vmem>>
      %dma_start3A_214 = arith.constant 0 : i32
      %dma_start3A_215 = arith.constant 0 : i32
      %dma_start3A_216 = tpu.memref_slice %arg3[%dma_start3A_214, %dma_start3A_215] : memref<100000x128xf32, #tpu.memory_space<hbm>> -> memref<100000x128xf32, #tpu.memory_space<hbm>>
      tpu.enqueue_indirect_dma source(%dma_start3A_216 : memref<100000x128xf32, #tpu.memory_space<hbm>>) target(%arg7 : memref<128x128xf32, #tpu.memory_space<vmem>>) offsets(%dma_start3A_213 : memref<128xi32, #tpu.memory_space<vmem>>) semaphore(%arg12 : memref<!tpu.dma_semaphore, #tpu.memory_space<semaphore_mem>>)
      %add3A_217 = arith.constant 2 : i32
      %add3A_218 = arith.addi %add3A_149, %add3A_217 : i32
      %dma_wait3A_219 = arith.constant 0 : i32
      %dma_wait3A_220 = tpu.memref_slice %arg5[%add3A_218, %dma_wait3A_219] : memref<50x128xi32, #tpu.memory_space<vmem>> -> memref<1x128xi32, #tpu.memory_space<vmem>>
      %dma_wait3A_221 = tpu.memref_squeeze %dma_wait3A_220 : memref<1x128xi32, #tpu.memory_space<vmem>> -> memref<128xi32, #tpu.memory_space<vmem>>
      %dma_wait3A_222 = arith.constant 0 : i32
      %dma_wait3A_223 = arith.constant 0 : i32
      %dma_wait3A_224 = tpu.memref_slice %arg3[%dma_wait3A_222, %dma_wait3A_223] : memref<100000x128xf32, #tpu.memory_space<hbm>> -> memref<100000x128xf32, #tpu.memory_space<hbm>>
      tpu.wait_indirect_dma semaphore(%arg15 : memref<!tpu.dma_semaphore, #tpu.memory_space<semaphore_mem>>) src(%dma_wait3A_224 : memref<100000x128xf32, #tpu.memory_space<hbm>>) dst(%arg10 : memref<128x128xf32, #tpu.memory_space<vmem>>)
      %mul3A_225 = arith.constant 128 : i32
      %mul3A_226 = arith.muli %add3A_218, %mul3A_225 : i32
      %add3A_227 = arith.addi %mul3A_2, %mul3A_226 : i32
      %multiple_of3A_228 = tpu.assume_multiple %add3A_227, 8 : i32
      %dma_start3A_229 = arith.constant 0 : i32
      %dma_start3A_230 = tpu.memref_slice %arg4[%multiple_of3A_228, %dma_start3A_229] : memref<204800x128xf32, #tpu.memory_space<hbm>> -> memref<128x128xf32, #tpu.memory_space<hbm>>
      %dma_start3A_231 = arith.constant 0 : i32
      %dma_start3A_232 = tpu.memref_slice %arg4[%multiple_of3A_228, %dma_start3A_231] : memref<204800x128xf32, #tpu.memory_space<hbm>> -> memref<128x128xf32, #tpu.memory_space<hbm>>
      tpu.enqueue_dma source(%arg10 : memref<128x128xf32, #tpu.memory_space<vmem>>) target(%dma_start3A_232 : memref<128x128xf32, #tpu.memory_space<hbm>>) target_semaphore(%arg20 : memref<!tpu.dma_semaphore, #tpu.memory_space<semaphore_mem>>)
      %sub3A_233 = arith.constant 2 : i32
      %sub3A_234 = arith.subi %add3A_218, %sub3A_233 : i32
      %mul3A_235 = arith.constant 128 : i32
      %mul3A_236 = arith.muli %sub3A_234, %mul3A_235 : i32
      %add3A_237 = arith.addi %mul3A_2, %mul3A_236 : i32
      %multiple_of3A_238 = tpu.assume_multiple %add3A_237, 8 : i32
      %dma_wait3A_239 = arith.constant 0 : i32
      %dma_wait3A_240 = tpu.memref_slice %arg4[%multiple_of3A_238, %dma_wait3A_239] : memref<204800x128xf32, #tpu.memory_space<hbm>> -> memref<128x128xf32, #tpu.memory_space<hbm>>
      %dma_wait3A_241 = arith.constant 0 : i32
      %dma_wait3A_242 = tpu.memref_slice %arg4[%multiple_of3A_238, %dma_wait3A_241] : memref<204800x128xf32, #tpu.memory_space<hbm>> -> memref<128x128xf32, #tpu.memory_space<hbm>>
      tpu.wait_dma2 semaphore(%arg18 : memref<!tpu.dma_semaphore, #tpu.memory_space<semaphore_mem>>) src(%arg8 : memref<128x128xf32, #tpu.memory_space<vmem>>) dst(%dma_wait3A_242 : memref<128x128xf32, #tpu.memory_space<hbm>>)
      %add3A_243 = arith.constant 3 : i32
      %add3A_244 = arith.addi %add3A_218, %add3A_243 : i32
      %dma_start3A_245 = arith.constant 0 : i32
      %dma_start3A_246 = tpu.memref_slice %arg5[%add3A_244, %dma_start3A_245] : memref<50x128xi32, #tpu.memory_space<vmem>> -> memref<1x128xi32, #tpu.memory_space<vmem>>
      %dma_start3A_247 = tpu.memref_squeeze %dma_start3A_246 : memref<1x128xi32, #tpu.memory_space<vmem>> -> memref<128xi32, #tpu.memory_space<vmem>>
      %dma_start3A_248 = arith.constant 0 : i32
      %dma_start3A_249 = arith.constant 0 : i32
      %dma_start3A_250 = tpu.memref_slice %arg3[%dma_start3A_248, %dma_start3A_249] : memref<100000x128xf32, #tpu.memory_space<hbm>> -> memref<100000x128xf32, #tpu.memory_space<hbm>>
      tpu.enqueue_indirect_dma source(%dma_start3A_250 : memref<100000x128xf32, #tpu.memory_space<hbm>>) target(%arg8 : memref<128x128xf32, #tpu.memory_space<vmem>>) offsets(%dma_start3A_247 : memref<128xi32, #tpu.memory_space<vmem>>) semaphore(%arg13 : memref<!tpu.dma_semaphore, #tpu.memory_space<semaphore_mem>>)
      %add3A_251 = arith.constant 3 : i32
      %add3A_252 = arith.addi %add3A_149, %add3A_251 : i32
      %dma_wait3A_253 = arith.constant 0 : i32
      %dma_wait3A_254 = tpu.memref_slice %arg5[%add3A_252, %dma_wait3A_253] : memref<50x128xi32, #tpu.memory_space<vmem>> -> memref<1x128xi32, #tpu.memory_space<vmem>>
      %dma_wait3A_255 = tpu.memref_squeeze %dma_wait3A_254 : memref<1x128xi32, #tpu.memory_space<vmem>> -> memref<128xi32, #tpu.memory_space<vmem>>
      %dma_wait3A_256 = arith.constant 0 : i32
      %dma_wait3A_257 = arith.constant 0 : i32
      %dma_wait3A_258 = tpu.memref_slice %arg3[%dma_wait3A_256, %dma_wait3A_257] : memref<100000x128xf32, #tpu.memory_space<hbm>> -> memref<100000x128xf32, #tpu.memory_space<hbm>>
      tpu.wait_indirect_dma semaphore(%arg11 : memref<!tpu.dma_semaphore, #tpu.memory_space<semaphore_mem>>) src(%dma_wait3A_258 : memref<100000x128xf32, #tpu.memory_space<hbm>>) dst(%arg6 : memref<128x128xf32, #tpu.memory_space<vmem>>)
      %mul3A_259 = arith.constant 128 : i32
      %mul3A_260 = arith.muli %add3A_252, %mul3A_259 : i32
      %add3A_261 = arith.addi %mul3A_2, %mul3A_260 : i32
      %multiple_of3A_262 = tpu.assume_multiple %add3A_261, 8 : i32
      %dma_start3A_263 = arith.constant 0 : i32
      %dma_start3A_264 = tpu.memref_slice %arg4[%multiple_of3A_262, %dma_start3A_263] : memref<204800x128xf32, #tpu.memory_space<hbm>> -> memref<128x128xf32, #tpu.memory_space<hbm>>
      %dma_start3A_265 = arith.constant 0 : i32
      %dma_start3A_266 = tpu.memref_slice %arg4[%multiple_of3A_262, %dma_start3A_265] : memref<204800x128xf32, #tpu.memory_space<hbm>> -> memref<128x128xf32, #tpu.memory_space<hbm>>
      tpu.enqueue_dma source(%arg6 : memref<128x128xf32, #tpu.memory_space<vmem>>) target(%dma_start3A_266 : memref<128x128xf32, #tpu.memory_space<hbm>>) target_semaphore(%arg16 : memref<!tpu.dma_semaphore, #tpu.memory_space<semaphore_mem>>)
      %sub3A_267 = arith.constant 2 : i32
      %sub3A_268 = arith.subi %add3A_252, %sub3A_267 : i32
      %mul3A_269 = arith.constant 128 : i32
      %mul3A_270 = arith.muli %sub3A_268, %mul3A_269 : i32
      %add3A_271 = arith.addi %mul3A_2, %mul3A_270 : i32
      %multiple_of3A_272 = tpu.assume_multiple %add3A_271, 8 : i32
      %dma_wait3A_273 = arith.constant 0 : i32
      %dma_wait3A_274 = tpu.memref_slice %arg4[%multiple_of3A_272, %dma_wait3A_273] : memref<204800x128xf32, #tpu.memory_space<hbm>> -> memref<128x128xf32, #tpu.memory_space<hbm>>
      %dma_wait3A_275 = arith.constant 0 : i32
      %dma_wait3A_276 = tpu.memref_slice %arg4[%multiple_of3A_272, %dma_wait3A_275] : memref<204800x128xf32, #tpu.memory_space<hbm>> -> memref<128x128xf32, #tpu.memory_space<hbm>>
      tpu.wait_dma2 semaphore(%arg19 : memref<!tpu.dma_semaphore, #tpu.memory_space<semaphore_mem>>) src(%arg9 : memref<128x128xf32, #tpu.memory_space<vmem>>) dst(%dma_wait3A_276 : memref<128x128xf32, #tpu.memory_space<hbm>>)
      %add3A_277 = arith.constant 3 : i32
      %add3A_278 = arith.addi %add3A_252, %add3A_277 : i32
      %dma_start3A_279 = arith.constant 0 : i32
      %dma_start3A_280 = tpu.memref_slice %arg5[%add3A_278, %dma_start3A_279] : memref<50x128xi32, #tpu.memory_space<vmem>> -> memref<1x128xi32, #tpu.memory_space<vmem>>
      %dma_start3A_281 = tpu.memref_squeeze %dma_start3A_280 : memref<1x128xi32, #tpu.memory_space<vmem>> -> memref<128xi32, #tpu.memory_space<vmem>>
      %dma_start3A_282 = arith.constant 0 : i32
      %dma_start3A_283 = arith.constant 0 : i32
      %dma_start3A_284 = tpu.memref_slice %arg3[%dma_start3A_282, %dma_start3A_283] : memref<100000x128xf32, #tpu.memory_space<hbm>> -> memref<100000x128xf32, #tpu.memory_space<hbm>>
      tpu.enqueue_indirect_dma source(%dma_start3A_284 : memref<100000x128xf32, #tpu.memory_space<hbm>>) target(%arg9 : memref<128x128xf32, #tpu.memory_space<vmem>>) offsets(%dma_start3A_281 : memref<128xi32, #tpu.memory_space<vmem>>) semaphore(%arg14 : memref<!tpu.dma_semaphore, #tpu.memory_space<semaphore_mem>>)
      %add3A_285 = arith.constant 4 : i32
      %add3A_286 = arith.addi %add3A_149, %add3A_285 : i32
      %dma_wait3A_287 = arith.constant 0 : i32
      %dma_wait3A_288 = tpu.memref_slice %arg5[%add3A_286, %dma_wait3A_287] : memref<50x128xi32, #tpu.memory_space<vmem>> -> memref<1x128xi32, #tpu.memory_space<vmem>>
      %dma_wait3A_289 = tpu.memref_squeeze %dma_wait3A_288 : memref<1x128xi32, #tpu.memory_space<vmem>> -> memref<128xi32, #tpu.memory_space<vmem>>
      %dma_wait3A_290 = arith.constant 0 : i32
      %dma_wait3A_291 = arith.constant 0 : i32
      %dma_wait3A_292 = tpu.memref_slice %arg3[%dma_wait3A_290, %dma_wait3A_291] : memref<100000x128xf32, #tpu.memory_space<hbm>> -> memref<100000x128xf32, #tpu.memory_space<hbm>>
      tpu.wait_indirect_dma semaphore(%arg12 : memref<!tpu.dma_semaphore, #tpu.memory_space<semaphore_mem>>) src(%dma_wait3A_292 : memref<100000x128xf32, #tpu.memory_space<hbm>>) dst(%arg7 : memref<128x128xf32, #tpu.memory_space<vmem>>)
      %mul3A_293 = arith.constant 128 : i32
      %mul3A_294 = arith.muli %add3A_286, %mul3A_293 : i32
      %add3A_295 = arith.addi %mul3A_2, %mul3A_294 : i32
      %multiple_of3A_296 = tpu.assume_multiple %add3A_295, 8 : i32
      %dma_start3A_297 = arith.constant 0 : i32
      %dma_start3A_298 = tpu.memref_slice %arg4[%multiple_of3A_296, %dma_start3A_297] : memref<204800x128xf32, #tpu.memory_space<hbm>> -> memref<128x128xf32, #tpu.memory_space<hbm>>
      %dma_start3A_299 = arith.constant 0 : i32
      %dma_start3A_300 = tpu.memref_slice %arg4[%multiple_of3A_296, %dma_start3A_299] : memref<204800x128xf32, #tpu.memory_space<hbm>> -> memref<128x128xf32, #tpu.memory_space<hbm>>
      tpu.enqueue_dma source(%arg7 : memref<128x128xf32, #tpu.memory_space<vmem>>) target(%dma_start3A_300 : memref<128x128xf32, #tpu.memory_space<hbm>>) target_semaphore(%arg17 : memref<!tpu.dma_semaphore, #tpu.memory_space<semaphore_mem>>)
      %sub3A_301 = arith.constant 2 : i32
      %sub3A_302 = arith.subi %add3A_286, %sub3A_301 : i32
      %mul3A_303 = arith.constant 128 : i32
      %mul3A_304 = arith.muli %sub3A_302, %mul3A_303 : i32
      %add3A_305 = arith.addi %mul3A_2, %mul3A_304 : i32
      %multiple_of3A_306 = tpu.assume_multiple %add3A_305, 8 : i32
      %dma_wait3A_307 = arith.constant 0 : i32
      %dma_wait3A_308 = tpu.memref_slice %arg4[%multiple_of3A_306, %dma_wait3A_307] : memref<204800x128xf32, #tpu.memory_space<hbm>> -> memref<128x128xf32, #tpu.memory_space<hbm>>
      %dma_wait3A_309 = arith.constant 0 : i32
      %dma_wait3A_310 = tpu.memref_slice %arg4[%multiple_of3A_306, %dma_wait3A_309] : memref<204800x128xf32, #tpu.memory_space<hbm>> -> memref<128x128xf32, #tpu.memory_space<hbm>>
      tpu.wait_dma2 semaphore(%arg20 : memref<!tpu.dma_semaphore, #tpu.memory_space<semaphore_mem>>) src(%arg10 : memref<128x128xf32, #tpu.memory_space<vmem>>) dst(%dma_wait3A_310 : memref<128x128xf32, #tpu.memory_space<hbm>>)
      %add3A_311 = arith.constant 3 : i32
      %add3A_312 = arith.addi %add3A_286, %add3A_311 : i32
      %dma_start3A_313 = arith.constant 0 : i32
      %dma_start3A_314 = tpu.memref_slice %arg5[%add3A_312, %dma_start3A_313] : memref<50x128xi32, #tpu.memory_space<vmem>> -> memref<1x128xi32, #tpu.memory_space<vmem>>
      %dma_start3A_315 = tpu.memref_squeeze %dma_start3A_314 : memref<1x128xi32, #tpu.memory_space<vmem>> -> memref<128xi32, #tpu.memory_space<vmem>>
      %dma_start3A_316 = arith.constant 0 : i32
      %dma_start3A_317 = arith.constant 0 : i32
      %dma_start3A_318 = tpu.memref_slice %arg3[%dma_start3A_316, %dma_start3A_317] : memref<100000x128xf32, #tpu.memory_space<hbm>> -> memref<100000x128xf32, #tpu.memory_space<hbm>>
      tpu.enqueue_indirect_dma source(%dma_start3A_318 : memref<100000x128xf32, #tpu.memory_space<hbm>>) target(%arg10 : memref<128x128xf32, #tpu.memory_space<vmem>>) offsets(%dma_start3A_315 : memref<128xi32, #tpu.memory_space<vmem>>) semaphore(%arg15 : memref<!tpu.dma_semaphore, #tpu.memory_space<semaphore_mem>>)
    }
    %scan3A_67 = arith.constant 9 : i32
    %dma_wait3A_68 = arith.constant 47 : i32
    %dma_wait3A_69 = arith.constant 0 : i32
    %dma_wait3A_70 = tpu.memref_slice %arg5[%dma_wait3A_68, %dma_wait3A_69] : memref<50x128xi32, #tpu.memory_space<vmem>> -> memref<1x128xi32, #tpu.memory_space<vmem>>
    %dma_wait3A_71 = tpu.memref_squeeze %dma_wait3A_70 : memref<1x128xi32, #tpu.memory_space<vmem>> -> memref<128xi32, #tpu.memory_space<vmem>>
    %dma_wait3A_72 = arith.constant 0 : i32
    %dma_wait3A_73 = arith.constant 0 : i32
    %dma_wait3A_74 = tpu.memref_slice %arg3[%dma_wait3A_72, %dma_wait3A_73] : memref<100000x128xf32, #tpu.memory_space<hbm>> -> memref<100000x128xf32, #tpu.memory_space<hbm>>
    tpu.wait_indirect_dma semaphore(%arg13 : memref<!tpu.dma_semaphore, #tpu.memory_space<semaphore_mem>>) src(%dma_wait3A_74 : memref<100000x128xf32, #tpu.memory_space<hbm>>) dst(%arg8 : memref<128x128xf32, #tpu.memory_space<vmem>>)
    %add3A_75 = arith.constant 6016 : i32
    %add3A_76 = arith.addi %mul3A_2, %add3A_75 : i32
    %multiple_of3A_77 = tpu.assume_multiple %add3A_76, 8 : i32
    %dma_start3A_78 = arith.constant 0 : i32
    %dma_start3A_79 = tpu.memref_slice %arg4[%multiple_of3A_77, %dma_start3A_78] : memref<204800x128xf32, #tpu.memory_space<hbm>> -> memref<128x128xf32, #tpu.memory_space<hbm>>
    %dma_start3A_80 = arith.constant 0 : i32
    %dma_start3A_81 = tpu.memref_slice %arg4[%multiple_of3A_77, %dma_start3A_80] : memref<204800x128xf32, #tpu.memory_space<hbm>> -> memref<128x128xf32, #tpu.memory_space<hbm>>
    tpu.enqueue_dma source(%arg8 : memref<128x128xf32, #tpu.memory_space<vmem>>) target(%dma_start3A_81 : memref<128x128xf32, #tpu.memory_space<hbm>>) target_semaphore(%arg18 : memref<!tpu.dma_semaphore, #tpu.memory_space<semaphore_mem>>)
    %add3A_82 = arith.constant 5760 : i32
    %add3A_83 = arith.addi %mul3A_2, %add3A_82 : i32
    %multiple_of3A_84 = tpu.assume_multiple %add3A_83, 8 : i32
    %dma_wait3A_85 = arith.constant 0 : i32
    %dma_wait3A_86 = tpu.memref_slice %arg4[%multiple_of3A_84, %dma_wait3A_85] : memref<204800x128xf32, #tpu.memory_space<hbm>> -> memref<128x128xf32, #tpu.memory_space<hbm>>
    %dma_wait3A_87 = arith.constant 0 : i32
    %dma_wait3A_88 = tpu.memref_slice %arg4[%multiple_of3A_84, %dma_wait3A_87] : memref<204800x128xf32, #tpu.memory_space<hbm>> -> memref<128x128xf32, #tpu.memory_space<hbm>>
    tpu.wait_dma2 semaphore(%arg16 : memref<!tpu.dma_semaphore, #tpu.memory_space<semaphore_mem>>) src(%arg6 : memref<128x128xf32, #tpu.memory_space<vmem>>) dst(%dma_wait3A_88 : memref<128x128xf32, #tpu.memory_space<hbm>>)
    %dma_wait3A_89 = arith.constant 48 : i32
    %dma_wait3A_90 = arith.constant 0 : i32
    %dma_wait3A_91 = tpu.memref_slice %arg5[%dma_wait3A_89, %dma_wait3A_90] : memref<50x128xi32, #tpu.memory_space<vmem>> -> memref<1x128xi32, #tpu.memory_space<vmem>>
    %dma_wait3A_92 = tpu.memref_squeeze %dma_wait3A_91 : memref<1x128xi32, #tpu.memory_space<vmem>> -> memref<128xi32, #tpu.memory_space<vmem>>
    %dma_wait3A_93 = arith.constant 0 : i32
    %dma_wait3A_94 = arith.constant 0 : i32
    %dma_wait3A_95 = tpu.memref_slice %arg3[%dma_wait3A_93, %dma_wait3A_94] : memref<100000x128xf32, #tpu.memory_space<hbm>> -> memref<100000x128xf32, #tpu.memory_space<hbm>>
    tpu.wait_indirect_dma semaphore(%arg14 : memref<!tpu.dma_semaphore, #tpu.memory_space<semaphore_mem>>) src(%dma_wait3A_95 : memref<100000x128xf32, #tpu.memory_space<hbm>>) dst(%arg9 : memref<128x128xf32, #tpu.memory_space<vmem>>)
    %add3A_96 = arith.constant 6144 : i32
    %add3A_97 = arith.addi %mul3A_2, %add3A_96 : i32
    %multiple_of3A_98 = tpu.assume_multiple %add3A_97, 8 : i32
    %dma_start3A_99 = arith.constant 0 : i32
    %dma_start3A_100 = tpu.memref_slice %arg4[%multiple_of3A_98, %dma_start3A_99] : memref<204800x128xf32, #tpu.memory_space<hbm>> -> memref<128x128xf32, #tpu.memory_space<hbm>>
    %dma_start3A_101 = arith.constant 0 : i32
    %dma_start3A_102 = tpu.memref_slice %arg4[%multiple_of3A_98, %dma_start3A_101] : memref<204800x128xf32, #tpu.memory_space<hbm>> -> memref<128x128xf32, #tpu.memory_space<hbm>>
    tpu.enqueue_dma source(%arg9 : memref<128x128xf32, #tpu.memory_space<vmem>>) target(%dma_start3A_102 : memref<128x128xf32, #tpu.memory_space<hbm>>) target_semaphore(%arg19 : memref<!tpu.dma_semaphore, #tpu.memory_space<semaphore_mem>>)
    %add3A_103 = arith.constant 5888 : i32
    %add3A_104 = arith.addi %mul3A_2, %add3A_103 : i32
    %multiple_of3A_105 = tpu.assume_multiple %add3A_104, 8 : i32
    %dma_wait3A_106 = arith.constant 0 : i32
    %dma_wait3A_107 = tpu.memref_slice %arg4[%multiple_of3A_105, %dma_wait3A_106] : memref<204800x128xf32, #tpu.memory_space<hbm>> -> memref<128x128xf32, #tpu.memory_space<hbm>>
    %dma_wait3A_108 = arith.constant 0 : i32
    %dma_wait3A_109 = tpu.memref_slice %arg4[%multiple_of3A_105, %dma_wait3A_108] : memref<204800x128xf32, #tpu.memory_space<hbm>> -> memref<128x128xf32, #tpu.memory_space<hbm>>
    tpu.wait_dma2 semaphore(%arg17 : memref<!tpu.dma_semaphore, #tpu.memory_space<semaphore_mem>>) src(%arg7 : memref<128x128xf32, #tpu.memory_space<vmem>>) dst(%dma_wait3A_109 : memref<128x128xf32, #tpu.memory_space<hbm>>)
    %dma_wait3A_110 = arith.constant 49 : i32
    %dma_wait3A_111 = arith.constant 0 : i32
    %dma_wait3A_112 = tpu.memref_slice %arg5[%dma_wait3A_110, %dma_wait3A_111] : memref<50x128xi32, #tpu.memory_space<vmem>> -> memref<1x128xi32, #tpu.memory_space<vmem>>
    %dma_wait3A_113 = tpu.memref_squeeze %dma_wait3A_112 : memref<1x128xi32, #tpu.memory_space<vmem>> -> memref<128xi32, #tpu.memory_space<vmem>>
    %dma_wait3A_114 = arith.constant 0 : i32
    %dma_wait3A_115 = arith.constant 0 : i32
    %dma_wait3A_116 = tpu.memref_slice %arg3[%dma_wait3A_114, %dma_wait3A_115] : memref<100000x128xf32, #tpu.memory_space<hbm>> -> memref<100000x128xf32, #tpu.memory_space<hbm>>
    tpu.wait_indirect_dma semaphore(%arg15 : memref<!tpu.dma_semaphore, #tpu.memory_space<semaphore_mem>>) src(%dma_wait3A_116 : memref<100000x128xf32, #tpu.memory_space<hbm>>) dst(%arg10 : memref<128x128xf32, #tpu.memory_space<vmem>>)
    %add3A_117 = arith.constant 6272 : i32
    %add3A_118 = arith.addi %mul3A_2, %add3A_117 : i32
    %multiple_of3A_119 = tpu.assume_multiple %add3A_118, 8 : i32
    %dma_start3A_120 = arith.constant 0 : i32
    %dma_start3A_121 = tpu.memref_slice %arg4[%multiple_of3A_119, %dma_start3A_120] : memref<204800x128xf32, #tpu.memory_space<hbm>> -> memref<128x128xf32, #tpu.memory_space<hbm>>
    %dma_start3A_122 = arith.constant 0 : i32
    %dma_start3A_123 = tpu.memref_slice %arg4[%multiple_of3A_119, %dma_start3A_122] : memref<204800x128xf32, #tpu.memory_space<hbm>> -> memref<128x128xf32, #tpu.memory_space<hbm>>
    tpu.enqueue_dma source(%arg10 : memref<128x128xf32, #tpu.memory_space<vmem>>) target(%dma_start3A_123 : memref<128x128xf32, #tpu.memory_space<hbm>>) target_semaphore(%arg20 : memref<!tpu.dma_semaphore, #tpu.memory_space<semaphore_mem>>)
    %add3A_124 = arith.constant 6016 : i32
    %add3A_125 = arith.addi %mul3A_2, %add3A_124 : i32
    %multiple_of3A_126 = tpu.assume_multiple %add3A_125, 8 : i32
    %dma_wait3A_127 = arith.constant 0 : i32
    %dma_wait3A_128 = tpu.memref_slice %arg4[%multiple_of3A_126, %dma_wait3A_127] : memref<204800x128xf32, #tpu.memory_space<hbm>> -> memref<128x128xf32, #tpu.memory_space<hbm>>
    %dma_wait3A_129 = arith.constant 0 : i32
    %dma_wait3A_130 = tpu.memref_slice %arg4[%multiple_of3A_126, %dma_wait3A_129] : memref<204800x128xf32, #tpu.memory_space<hbm>> -> memref<128x128xf32, #tpu.memory_space<hbm>>
    tpu.wait_dma2 semaphore(%arg18 : memref<!tpu.dma_semaphore, #tpu.memory_space<semaphore_mem>>) src(%arg8 : memref<128x128xf32, #tpu.memory_space<vmem>>) dst(%dma_wait3A_130 : memref<128x128xf32, #tpu.memory_space<hbm>>)
    %add3A_131 = arith.constant 6144 : i32
    %add3A_132 = arith.addi %mul3A_2, %add3A_131 : i32
    %multiple_of3A_133 = tpu.assume_multiple %add3A_132, 8 : i32
    %dma_wait3A_134 = arith.constant 0 : i32
    %dma_wait3A_135 = tpu.memref_slice %arg4[%multiple_of3A_133, %dma_wait3A_134] : memref<204800x128xf32, #tpu.memory_space<hbm>> -> memref<128x128xf32, #tpu.memory_space<hbm>>
    %dma_wait3A_136 = arith.constant 0 : i32
    %dma_wait3A_137 = tpu.memref_slice %arg4[%multiple_of3A_133, %dma_wait3A_136] : memref<204800x128xf32, #tpu.memory_space<hbm>> -> memref<128x128xf32, #tpu.memory_space<hbm>>
    tpu.wait_dma2 semaphore(%arg19 : memref<!tpu.dma_semaphore, #tpu.memory_space<semaphore_mem>>) src(%arg9 : memref<128x128xf32, #tpu.memory_space<vmem>>) dst(%dma_wait3A_137 : memref<128x128xf32, #tpu.memory_space<hbm>>)
    %add3A_138 = arith.constant 6272 : i32
    %add3A_139 = arith.addi %mul3A_2, %add3A_138 : i32
    %multiple_of3A_140 = tpu.assume_multiple %add3A_139, 8 : i32
    %dma_wait3A_141 = arith.constant 0 : i32
    %dma_wait3A_142 = tpu.memref_slice %arg4[%multiple_of3A_140, %dma_wait3A_141] : memref<204800x128xf32, #tpu.memory_space<hbm>> -> memref<128x128xf32, #tpu.memory_space<hbm>>
    %dma_wait3A_143 = arith.constant 0 : i32
    %dma_wait3A_144 = tpu.memref_slice %arg4[%multiple_of3A_140, %dma_wait3A_143] : memref<204800x128xf32, #tpu.memory_space<hbm>> -> memref<128x128xf32, #tpu.memory_space<hbm>>
    tpu.wait_dma2 semaphore(%arg20 : memref<!tpu.dma_semaphore, #tpu.memory_space<semaphore_mem>>) src(%arg10 : memref<128x128xf32, #tpu.memory_space<vmem>>) dst(%dma_wait3A_144 : memref<128x128xf32, #tpu.memory_space<hbm>>)
    return
  }
}

</mosaic_0001>

<sc_bundles>
// kernel: kernel.3.cloned.1.call-start
scs
__scs_entry_jumppad:
0x0: {  	(pc) =	sbr.rel $0x88, $3  }
0x1: {  	(tag) =	ssettag $0x0;
	lr =	simm.s32 $0x1  }
0x2: {  	[smem:$0x3F9F] =	sst lr;
	_ =	strace $0xD0000000  }
0x3: {  	_ = 	snop  }
0x4: {  	_ = 	snop  }
0x5: {  	_ = 	snop  }
0x6: {  	_ = 	snop  }
0x7: {  	_ = 	snop  }
__scs_overlays_trampoline_lowered:
0x8: {  	[smem:$0x3FAE] =	sst s0  }
0x9: {  	[smem:$0x3FAF] =	sst s1  }
0xa: {  	[smem:$0x3FB0] =	sst s2  }
0xb: {  	[smem:$0x3FB1] =	sst s3  }
0xc: {  	[smem:$0x3FB2] =	sst s4  }
0xd: {  	[smem:$0x3FB3] =	sst s5  }
0xe: {  	[smem:$0x3FB4] =	sst s6  }
0xf: {  	[smem:$0x3FB5] =	sst s7  }
0x10: {  	[smem:$0x3FB6] =	sst s8  }
0x11: {  	[smem:$0x3FB7] =	sst s9;
	s0 =	simm.s32 @!p0 $0x0  }
0x12: {  	s1 =	sld [smem:$0x3F9D];
	s0 =	simm.s32 @p0 $0x1  }
0x13: {  	[smem:$0x3FB8] =	sst s0;
	s0 =	simm.s32 @!p1 $0x0  }
0x14: {  	s2 =	sld [smem:$0x3F9C];
	s0 =	simm.s32 @p1 $0x1  }
0x15: {  	[smem:$0x3FB9] =	sst s0;
	s0 =	simm.s32 @!p2 $0x0  }
0x16: {  	s3 =	sld [smem:$0x3FDB];
	s0 =	simm.s32 @p2 $0x1  }
0x17: {  	s4 =	simm.s32 $0x1BF5;
	[smem:$0x3FBB] =	sst s0  }
0x18: {  	s0 =	sld [smem:$0x3F9E];
	_ =	swait.ge [sflag:s4], $0x0  }
0x19: {  	s7 =	sld [smem:$0x3F9F]  }
0x1a: {  	s8 =	sadd.s32 $0xFFFFE003, lr  }
0x1b: {  	s9 =	sadd.s32 $0xFFFFFEF7, lr;
	s5 =	simm.s32 $0xFFFFFFFF;
	p2 =	slt.u32 s8, $0xFFFFF086  }
0x1c: {  	p1 =	slt.u32 s9, $0xF7A;
	s5 =	simm.s32 @!p2 $0x0  }
0x1d: {  	s5 =	simm.s32 @p1 $0x1;
	p0 =	seq.s32 s7, s2  }
0x1e: {  	s7 =	smul.u32 @!p0 $0xF7A, s2;
	p2 =	seq.s32 @!p0 s5, $0x0  }
0x1f: {  	s9 =	smul.u32 $0xF7A, s1;
	s8 =	simm.s32 @!p0 $0x1BF5;
	p2 =	por !p2, p0  }
0x20: {  	[sflag:s8] =	ssyncset.s32 @!p0 $0xFFFFF086;
	s6 =	sadd.s32 @!p0 s3, s7;
	s7 =	simm.s32 @!p0 $0x108  }
0x21: {  	s3 =	sadd.s32 s3, s9;
	s6 =	sadd.s32 @!p0 $0x88, s6;
	s7 =	simm.s32 @p2 $0x1082  }
0x22: {  	[simem:s7], [sflag:s8] =	dma.local @!p0 [hbm:s6], $0xF7A  }
0x23: {  	s9 =	sor.u32 $0xD0000000, s2;
	s6 =	simm.s32 $0x108;
	_ =	swait.ge @!p0 [sflag:s8], $0x0  }
0x24: {  	s3 =	sadd.s32 $0x88, s3;
	s6 =	simm.s32 @!p1 $0x1082;
	[sflag:s4] =	ssyncset.s32 $0xFFFFF086  }
0x25: {  	[simem:s6], [sflag:s4] =	dma.local [hbm:s3], $0xF7A  }
0x26: {  	[smem:$0x3F9F] =	sst s1;
	(tag) =	ssettag s2;
	_ =	strace s9  }
0x27: {  	s1 =	sld [smem:$0x3FAF]  }
0x28: {  	s2 =	sld [smem:$0x3FB0]  }
0x29: {  	s4 =	sld [smem:$0x3FB2]  }
0x2a: {  	p0 =	seq.s32 s5, $0x0;
	s5 =	sld [smem:$0x3FB3]  }
0x2b: {  	s6 =	sld [smem:$0x3FB4]  }
0x2c: {  	s7 =	sld [smem:$0x3FB5]  }
0x2d: {  	s3 =	simm.s32 $0x108;
	s8 =	sld [smem:$0x3FB6]  }
0x2e: {  	s3 =	simm.s32 @!p0 $0x1082;
	s9 =	sld [smem:$0x3FB7]  }
0x2f: {  	lr =	sadd.s32 s0, s3;
	s0 =	sld [smem:$0x3FAE]  }
0x30: {  	s3 =	sld [smem:$0x3FB1]  }
0x31: {  	[smem:$0x3FBA] =	sst s10  }
0x32: {  	s10 =	sld [smem:$0x3FB8];
	_ =	sdelay $0x3  }
0x33: {  	p0 =	seq.s32 s10, $0x1;
	s10 =	sld [smem:$0x3FBA];
	_ =	sdelay $0x3  }
0x34: {  	[smem:$0x3FBA] =	sst s10  }
0x35: {  	s10 =	sld [smem:$0x3FB9];
	_ =	sdelay $0x3  }
0x36: {  	p1 =	seq.s32 s10, $0x1;
	s10 =	sld [smem:$0x3FBA];
	_ =	sdelay $0x3  }
0x37: {  	[smem:$0x3FBA] =	sst s10  }
0x38: {  	s10 =	sld [smem:$0x3FBB]  }
0x39: {  	_ = 	snop;
	(pc) =	sbr.ind lr, $3  }
0x3a: {  	_ = 	snop  }
0x3b: {  	_ = 	snop  }
0x3c: {  	p2 =	seq.s32 s10, $0x1;
	s10 =	sld [smem:$0x3FBA]  }
0x3d: {  	_ =	shalt  }
0x3e: {  	_ =	shalt  }
0x3f: {  	_ =	shalt  }
0x40: {  	_ =	shalt  }
0x41: {  	_ =	shalt  }
0x42: {  	_ =	shalt  }
0x43: {  	_ =	shalt  }
0x44: {  	_ =	shalt  }
0x45: {  	_ =	shalt  }
0x46: {  	_ =	shalt  }
0x47: {  	_ =	shalt  }
0x48: {  	_ =	shalt  }
0x49: {  	_ =	shalt  }
0x4a: {  	_ =	shalt  }
0x4b: {  	_ =	shalt  }
0x4c: {  	_ =	shalt  }
0x4d: {  	_ =	shalt  }
0x4e: {  	_ =	shalt  }
0x4f: {  	_ =	shalt  }
0x50: {  	_ =	shalt  }
0x51: {  	_ =	shalt  }
0x52: {  	_ =	shalt  }
0x53: {  	_ =	shalt  }
0x54: {  	_ =	shalt  }
0x55: {  	_ =	shalt  }
0x56: {  	_ =	shalt  }
0x57: {  	_ =	shalt  }
0x58: {  	_ =	shalt  }
0x59: {  	_ =	shalt  }
0x5a: {  	_ =	shalt  }
0x5b: {  	_ =	shalt  }
0x5c: {  	_ =	shalt  }
0x5d: {  	_ =	shalt  }
0x5e: {  	_ =	shalt  }
0x5f: {  	_ =	shalt  }
0x60: {  	_ =	shalt  }
0x61: {  	_ =	shalt  }
0x62: {  	_ =	shalt  }
0x63: {  	_ =	shalt  }
0x64: {  	_ =	shalt  }
0x65: {  	_ =	shalt  }
0x66: {  	_ =	shalt  }
0x67: {  	_ =	shalt  }
0x68: {  	_ =	shalt  }
0x69: {  	_ =	shalt  }
0x6a: {  	_ =	shalt  }
0x6b: {  	_ =	shalt  }
0x6c: {  	_ =	shalt  }
0x6d: {  	_ =	shalt  }
0x6e: {  	_ =	shalt  }
0x6f: {  	_ =	shalt  }
0x70: {  	_ =	shalt  }
0x71: {  	_ =	shalt  }
0x72: {  	_ =	shalt  }
0x73: {  	_ =	shalt  }
0x74: {  	_ =	shalt  }
0x75: {  	_ =	shalt  }
0x76: {  	_ =	shalt  }
0x77: {  	_ =	shalt  }
0x78: {  	_ =	shalt  }
0x79: {  	_ =	shalt  }
0x7a: {  	_ =	shalt  }
0x7b: {  	_ =	shalt  }
0x7c: {  	_ =	shalt  }
0x7d: {  	_ =	shalt  }
0x7e: {  	_ =	shalt  }
0x7f: {  	_ =	shalt  }
0x80: {  	_ =	shalt  }
0x81: {  	_ =	shalt  }
0x82: {  	_ =	shalt  }
0x83: {  	_ =	shalt  }
0x84: {  	_ =	shalt  }
0x85: {  	_ =	shalt  }
0x86: {  	_ =	shalt  }
0x87: {  	_ =	shalt  }
.Lfunc_end0:
.L_simem_size_0:
called_computation_lowered:
.L_overlay_start_0:
0x88: {  	s2 =	sld [smem:$0x3FD9]  }
0x89: {  	s3 =	sld [smem:$0x3FFE];
	_ =	sdelay $0x1  }
0x8a: {  	s1 =	srdreg.scid  }
0x8b: {  	s0 =	sand.u32 $0x1, s1  }
0x8c: {  	s17 =	sshll.u32 s0, $0xA;
	s2 =	sadd.s32 s3, s2  }
0x8d: {  	s2 =	sadd.s32 s2, s17  }
0x8e: {  	[smem:$0x3FC6] =	sst s2  }
0x8f: {  	_ = 	snop  }
0x90: {  	s2 =	sld [smem:$0x3FC8]  }
0x91: {  	s18 =	sld [smem:$0x3FD0];
	(tm) =	ssettm $0x1  }
0x92: {  	s4 =	sld [smem:$0x3FFB];
	_ =	sdelay $0x3  }
0x93: {  	_ =	strace s4  }
0x94: {  	s4 =	sld [smem:$0x3FFC];
	_ =	sdelay $0x3  }
0x95: {  	_ =	strace s4  }
0x96: {  	s4 =	sld [smem:$0x3FFD];
	_ =	sdelay $0x3  }
0x97: {  	_ =	strace s4  }
0x98: {  	_ =	strace $0x8FFFFFFF  }
0x99: {  	s19 =	sld [smem:$0x3FDB];
	_ =	sdelay $0x1  }
0x9a: {  	s5 =	simm.s32 $_scs_section_size  }
0x9b: {  	s6 =	simm.s32 $_size__tile_overlayer_lowered;
	s7 =	simm.s32 $_tile_overlayer_lowered  }
0x9c: {  	s22 =	simm.s32 $0x1BFF;
	s21 =	sshll.u32 s7, $0x1;
	s4 =	sadd.s32 s5, s19  }
0x9d: {  	s8 =	simm.s32 $0x0;
	s20 =	sshll.u32 s6, $0x1;
	s6 =	sadd.s32 s21, s4  }
0x9e: {  	[timem:s8], [sflag:s22] =	dma.local [hbm:s6], s20  }
0x9f: {  	_ =	swait.ge [sflag:s22], s20  }
0xa0: {  	s5 =	ssub.s32 $0x0, s20;
	[sflag:s22] =	ssyncset.done $0x0  }
0xa1: {  	[sflag:s22] =	ssyncadd.s32 s5;
	_ =	sdelay $0x1  }
0xa2: {  	s23 =	simm.s32 $0x1B8B  }
0xa3: {  	_ =	swait.ge [sflag:s23], $0x1  }
0xa4: {  	[sflag:s23] =	ssyncset.done $0x0  }
0xa5: {  	s25 =	simm.s32 $0x1B8E;
	s24 =	sld [smem:$0x3FFE];
	[sflag:s23] =	ssyncadd.s32 $0xFFFFFFFF  }
0xa6: {  	s26 =	simm.s32 $execute0_lowered;
	[smem:$0x3FD2] =	sst s25  }
0xa7: {  	s6 =	sshll.u32 s26, $0x1;
	_ =	strace $0x80000046;
	[dreg:$0x1] =	wrdreg $0xFFFFFFFF  }
0xa8: {  	s28 =	simm.s32 $_size_execute0_lowered;
	s4 =	sadd.s32 s4, s6;
	[dreg:$0x0] =	wrdreg $0x0  }
0xa9: {  	s6 =	sshll.u32 s28, $0x1;
	[dreg:$0x2] =	wrdreg s4  }
0xaa: {  	[dreg:$0x3] =	wrdreg s6  }
0xab: {  	[dreg:$0x4] =	wrdreg $0xC0  }
0xac: {  	_ =	task [dreg:s8], $0x5FFFF  }
0xad: {  	[dreg:$0x1] =	wrdreg $0xFFFFFFFF  }
0xae: {  	[dreg:$0x0] =	wrdreg $0x60  }
0xaf: {  	[dreg:$0x2] =	wrdreg s24  }
0xb0: {  	[dreg:$0x3] =	wrdreg s2  }
0xb1: {  	[dreg:$0x4] =	wrdreg s18  }
0xb2: {  	[dreg:$0x5] =	wrdreg $0x9  }
0xb3: {  	_ =	task.clear_ibuf [dreg:s8], $0x6FFFF;
	_ =	strace $0x90000046  }
0xb4: {  	s29 =	simm.s32 $0x9;
	_ =	strace $0x80000048  }
0xb5: {  	_ =	swait.ge [sflag:s29], $0x1  }
0xb6: {  	[sflag:s29] =	ssyncadd.s32 $0xFFFFFFFF  }
0xb7: {  	_ =	strace $0x90000048  }
0xb8: {  	_ =	sfence  }
0xb9: {  	s30 =	sld [smem:$0x0];
	_ =	sdelay $0x2  }
0xba: {  	s31 =	sshll.u32 s1, $0xD;
	s1 =	sshrl.u32 s1, $0x2  }
0xbb: {  	s3 =	sand.u32 $0x4000, s31;
	s1 =	sadd.s32 s1, s30  }
0xbc: {  	s0 =	sor.u32 s3, s0;
	s1 =	sshll.u32 s1, $0x11  }
0xbd: {  	s0 =	sor.u32 s1, s0  }
0xbe: {  	s0 =	sadd.s32 $0x8F2B, s0  }
0xbf: {  	[sflag:s0] =	ssyncadd.remote.s32 $0x1  }
0xc0: {  	_ =	sfence.sel $0xFFFF  }
0xc1: {  	[dreg:$0x0] =	wrdreg $0xFFFFFFFF;
	(pc) =	sbr.abs _section_cstart, $3  }
0xc2: {  	[dreg:$0x1] =	wrdreg $0xFFFFFFFF  }
0xc3: {  	_ =	task.clear_ibuf [dreg:s8], $0x2FFFF;
	_ =	strace $0x9FFFFFFF  }
0xc4: {  	(tm) =	ssettm $0x7FFFFFFF  }
0xc5: {  	_ =	shalt  }
tec
execute0_lowered:
.L_overlay_start_1:
0x0: {  	(tag) =	ssettag $0x1  }
0x1: {  	s0 =	rddreg [dreg:$0x0]  }
0x2: {  	s2 =	rddreg [dreg:$0x1];
	s1 =	srdreg.scid  }
0x3: {  	s11 =	stileid.u32;
	s7 =	rddreg [dreg:$0x2];
	s3 =	simm.s32 $0x0  }
0x4: {  	s12 =	simm.s32 $0xB;
	s13 =	simm.s32 $0x80;
	s14 =	simm.s32 $0x1C00  }
0x5: {  	s15 =	simm.s32 $0x5C00;
	s17 =	simm.s32 $0x9C00;
	s18 =	simm.s32 $0x1  }
0x6: {  	s20 =	simm.s32 $0xDC00;
	s21 =	simm.s32 $0x2;
	s23 =	simm.s32 $0x11C00  }
0x7: {  	s28 =	simm.s32 $0x7;
	s1 =	sand.u32 $0x1, s1;
	s4 =	sshll.u32 s11, $0x1  }
0x8: {  	s29 =	simm.s32 $0x5;
	s25 =	smul.u32 $0x32000, s11;
	s4 =	sor.u32 s1, s4  }
0x9: {  	s30 =	simm.s32 $0x8;
	s31 =	simm.s32 $0x9;
	s5 =	smul.u32 $0x380, s4  }
0xa: {  	[smem:$0x7FF] =	sst s3;
	s6 =	ssub.s32 $0x2, s1;
	s8 =	smul.u32 $0x19000, s4  }
0xb: {  	_ =	strace $0x80000047;
	s24 =	sshrl.u32 s6, $0x1;
	s9 =	smul.u32 $0xC8000, s4  }
0xc: {  	s1 =	smul.u32 $0x19000, s1;
	s10 =	ssub.s32 s6, s24;
	s24 =	simm.s32 $0x3  }
0xd: {  	s0 =	sadd.s32 s5, s0;
	s5 =	sadd.s32 s7, s8;
	s26 =	sshrl.u32 s9, $0x3  }
0xe: {  	s10 =	smax.u32 s10, $0x1;
	s0 =	sadd.s32 $0x400, s0;
	s6 =	sadd.s32 $0x800, s5  }
0xf: {  	s9 =	sadd.s32 s7, s26;
	s26 =	simm.s32 $0x4;
	[dreg:$0x4] =	wrdreg s0  }
0x10: {  	s0 =	sadd.s32 s25, s7;
	s7 =	sadd.s32 $0x17800, s9;
	s8 =	sadd.s32 $0x18000, s9  }
0x11: {  	s9 =	sadd.s32 $0x18800, s9;
	s25 =	simm.s32 $0x6;
	s0 =	sadd.s32 s1, s0  }
0x12: {  	s1 =	simm.s32 $0xA;
	s11 =	sadd.s32 $0x1800, s0;
	s0 =	simm.s32 $0x0  }
.LBB2_1:
0x13: {  	s4 =	rddreg [dreg:$0x4]  }
0x14: {  	[tilespmem:s3], [sflag:$0xB] =	stream.linear.gather [hbm4b:s4+s3], $0x1900, $0x38;
	[tilespmem:$0x15C00] =	vst v63  }
0x15: {  	_ =	swait.ge [sflag:s12], $0x1900  }
0x16: {  	[sflag:s12] =	ssyncset.done $0x0  }
0x17: {  	[sflag:s12] =	ssyncadd.s32 $0xFFFFE700  }
0x18: {  	[tilespmem:s14], [sflag:$0x1] =	stream.indirect.gather [hbm4b:s2+s13], $0x80, s3, s13, $0xb8;
	[tilespmem:$0x15C00] =	vst v63  }
0x19: {  	_ = 	snop  }
0x1a: {  	[tilespmem:s15], [sflag:$0x2] =	stream.indirect.gather [hbm4b:s2+s13], $0x80, s13, s13, $0xb8;
	[tilespmem:$0x15C00] =	vst v63  }
0x1b: {  	s22 =	simm.s32 $0x100  }
0x1c: {  	[tilespmem:s17], [sflag:$0x3] =	stream.indirect.gather [hbm4b:s2+s13], $0x80, s22, s13, $0xb8;
	[tilespmem:$0x15C00] =	vst v63  }
0x1d: {  	_ =	swait.ge [sflag:s18], $0x4000  }
0x1e: {  	[sflag:s18] =	ssyncset.done $0x0  }
0x1f: {  	[sflag:s18] =	ssyncadd.s32 $0xFFFFC000  }
0x20: {  	[hbm4b:s5+s3] =	stream.linear.scatter [tilespmem:s14], [sflag:$0x6], $0x4000, $0x38;
	[tilespmem:$0x15C00] =	vst v63  }
0x21: {  	s16 =	simm.s32 $0x180  }
0x22: {  	[tilespmem:s20], [sflag:$0x4] =	stream.indirect.gather [hbm4b:s2+s13], $0x80, s16, s13, $0xb8;
	[tilespmem:$0x15C00] =	vst v63  }
0x23: {  	_ =	swait.ge [sflag:s21], $0x4000  }
0x24: {  	[sflag:s21] =	ssyncset.done $0x0  }
0x25: {  	[sflag:s21] =	ssyncadd.s32 $0xFFFFC000  }
0x26: {  	[hbm4b:s6+s3] =	stream.linear.scatter [tilespmem:s15], [sflag:$0x7], $0x4000, $0x38;
	[tilespmem:$0x15C00] =	vst v63  }
0x27: {  	s19 =	simm.s32 $0x200  }
0x28: {  	[tilespmem:s23], [sflag:$0x5] =	stream.indirect.gather [hbm4b:s2+s13], $0x80, s19, s13, $0xb8;
	[tilespmem:$0x15C00] =	vst v63  }
0x29: {  	_ =	swait.ge [sflag:s24], $0x4000  }
0x2a: {  	[sflag:s24] =	ssyncset.done $0x0  }
0x2b: {  	s16 =	sadd.s32 $0xFFFFF800, s11;
	[sflag:s24] =	ssyncadd.s32 $0xFFFFC000  }
0x2c: {  	[hbm4b:s16+s3] =	stream.linear.scatter [tilespmem:s17], [sflag:$0x8], $0x4000, $0x38;
	[tilespmem:$0x15C00] =	vst v63  }
0x2d: {  	_ =	swait.ge [sflag:s25], $0x4000  }
0x2e: {  	[sflag:s25] =	ssyncset.done $0x0  }
0x2f: {  	s22 =	simm.s32 $0x280;
	[sflag:s25] =	ssyncadd.s32 $0xFFFFC000  }
0x30: {  	[tilespmem:s14], [sflag:$0x1] =	stream.indirect.gather [hbm4b:s2+s13], $0x80, s22, s13, $0xb8;
	[tilespmem:$0x15C00] =	vst v63  }
0x31: {  	_ =	swait.ge [sflag:s26], $0x4000  }
0x32: {  	[sflag:s26] =	ssyncset.done $0x0  }
0x33: {  	[sflag:s26] =	ssyncadd.s32 $0xFFFFC000  }
0x34: {  	[hbm4b:s11+s3] =	stream.linear.scatter [tilespmem:s20], [sflag:$0x9], $0x4000, $0x38;
	[tilespmem:$0x15C00] =	vst v63  }
0x35: {  	_ =	swait.ge [sflag:s28], $0x4000  }
0x36: {  	[sflag:s28] =	ssyncset.done $0x0  }
0x37: {  	s4 =	simm.s32 $0x300;
	[sflag:s28] =	ssyncadd.s32 $0xFFFFC000  }
0x38: {  	[tilespmem:s15], [sflag:$0x2] =	stream.indirect.gather [hbm4b:s2+s13], $0x80, s4, s13, $0xb8;
	[tilespmem:$0x15C00] =	vst v63  }
0x39: {  	_ =	swait.ge [sflag:s29], $0x4000  }
0x3a: {  	[sflag:s29] =	ssyncset.done $0x0  }
0x3b: {  	s19 =	sadd.s32 $0x800, s11;
	[sflag:s29] =	ssyncadd.s32 $0xFFFFC000  }
0x3c: {  	[hbm4b:s19+s3] =	stream.linear.scatter [tilespmem:s23], [sflag:$0xA], $0x4000, $0x38;
	[tilespmem:$0x15C00] =	vst v63  }
0x3d: {  	_ =	swait.ge [sflag:s30], $0x4000  }
0x3e: {  	[sflag:s30] =	ssyncset.done $0x0  }
0x3f: {  	s22 =	simm.s32 $0x380;
	[sflag:s30] =	ssyncadd.s32 $0xFFFFC000  }
0x40: {  	[tilespmem:s17], [sflag:$0x3] =	stream.indirect.gather [hbm4b:s2+s13], $0x80, s22, s13, $0xb8;
	[tilespmem:$0x15C00] =	vst v63  }
0x41: {  	_ =	swait.ge [sflag:s18], $0x4000  }
0x42: {  	[sflag:s18] =	ssyncset.done $0x0  }
0x43: {  	s4 =	sadd.s32 $0x1000, s11;
	[sflag:s18] =	ssyncadd.s32 $0xFFFFC000  }
0x44: {  	[hbm4b:s4+s3] =	stream.linear.scatter [tilespmem:s14], [sflag:$0x6], $0x4000, $0x38;
	[tilespmem:$0x15C00] =	vst v63  }
0x45: {  	_ =	swait.ge [sflag:s31], $0x4000  }
0x46: {  	[sflag:s31] =	ssyncset.done $0x0  }
0x47: {  	s19 =	simm.s32 $0x400;
	[sflag:s31] =	ssyncadd.s32 $0xFFFFC000  }
0x48: {  	[tilespmem:s20], [sflag:$0x4] =	stream.indirect.gather [hbm4b:s2+s13], $0x80, s19, s13, $0xb8;
	[tilespmem:$0x15C00] =	vst v63  }
0x49: {  	_ =	swait.ge [sflag:s21], $0x4000  }
0x4a: {  	[sflag:s21] =	ssyncset.done $0x0  }
0x4b: {  	s22 =	sadd.s32 $0x1800, s11;
	[sflag:s21] =	ssyncadd.s32 $0xFFFFC000  }
0x4c: {  	[hbm4b:s22+s3] =	stream.linear.scatter [tilespmem:s15], [sflag:$0x7], $0x4000, $0x38;
	[tilespmem:$0x15C00] =	vst v63  }
0x4d: {  	_ =	swait.ge [sflag:s1], $0x4000  }
0x4e: {  	s16 =	simm.s32 $0xA00;
	[sflag:s1] =	ssyncset.done $0x0  }
0x4f: {  	s19 =	sadd.s32 $0x2800, s11;
	s22 =	simm.s32 $0x480;
	[sflag:s1] =	ssyncadd.s32 $0xFFFFC000  }
.LBB2_2:
0x50: {  	[tilespmem:s23], [sflag:$0x5] =	stream.indirect.gather [hbm4b:s2+s13], $0x80, s22, s13, $0xb8;
	[tilespmem:$0x15C00] =	vst v63  }
0x51: {  	s22 =	smov.u32 s16  }
0x52: {  	p0 =	sne.s32 s16, $0x5000;
	s16 =	sadd.s32 $0xA00, s16;
	_ =	swait.ge [sflag:s24], $0x4000  }
0x53: {  	[sflag:s24] =	ssyncset.done $0x0  }
0x54: {  	s4 =	sadd.s32 $0xFFFFF800, s19;
	[sflag:s24] =	ssyncadd.s32 $0xFFFFC000  }
0x55: {  	[hbm4b:s4+s3] =	stream.linear.scatter [tilespmem:s17], [sflag:$0x8], $0x4000, $0x38;
	[tilespmem:$0x15C00] =	vst v63  }
0x56: {  	_ =	swait.ge [sflag:s25], $0x4000  }
0x57: {  	s22 =	sshra.s32 s22, $0x2;
	[sflag:s25] =	ssyncset.done $0x0  }
0x58: {  	s4 =	sadd.s32 $0x280, s22;
	[sflag:s25] =	ssyncadd.s32 $0xFFFFC000  }
0x59: {  	[tilespmem:s14], [sflag:$0x1] =	stream.indirect.gather [hbm4b:s2+s13], $0x80, s4, s13, $0xb8;
	[tilespmem:$0x15C00] =	vst v63  }
0x5a: {  	_ =	swait.ge [sflag:s26], $0x4000  }
0x5b: {  	[sflag:s26] =	ssyncset.done $0x0  }
0x5c: {  	[sflag:s26] =	ssyncadd.s32 $0xFFFFC000  }
0x5d: {  	[hbm4b:s19+s3] =	stream.linear.scatter [tilespmem:s20], [sflag:$0x9], $0x4000, $0x38;
	[tilespmem:$0x15C00] =	vst v63  }
0x5e: {  	_ =	swait.ge [sflag:s28], $0x4000  }
0x5f: {  	[sflag:s28] =	ssyncset.done $0x0  }
0x60: {  	s4 =	sadd.s32 $0x300, s22;
	[sflag:s28] =	ssyncadd.s32 $0xFFFFC000  }
0x61: {  	[tilespmem:s15], [sflag:$0x2] =	stream.indirect.gather [hbm4b:s2+s13], $0x80, s4, s13, $0xb8;
	[tilespmem:$0x15C00] =	vst v63  }
0x62: {  	_ =	swait.ge [sflag:s29], $0x4000  }
0x63: {  	[sflag:s29] =	ssyncset.done $0x0  }
0x64: {  	s4 =	sadd.s32 $0x800, s19;
	[sflag:s29] =	ssyncadd.s32 $0xFFFFC000  }
0x65: {  	[hbm4b:s4+s3] =	stream.linear.scatter [tilespmem:s23], [sflag:$0xA], $0x4000, $0x38;
	[tilespmem:$0x15C00] =	vst v63  }
0x66: {  	_ =	swait.ge [sflag:s30], $0x4000  }
0x67: {  	[sflag:s30] =	ssyncset.done $0x0  }
0x68: {  	s4 =	sadd.s32 $0x380, s22;
	[sflag:s30] =	ssyncadd.s32 $0xFFFFC000  }
0x69: {  	[tilespmem:s17], [sflag:$0x3] =	stream.indirect.gather [hbm4b:s2+s13], $0x80, s4, s13, $0xb8;
	[tilespmem:$0x15C00] =	vst v63  }
0x6a: {  	_ =	swait.ge [sflag:s18], $0x4000  }
0x6b: {  	[sflag:s18] =	ssyncset.done $0x0  }
0x6c: {  	s4 =	sadd.s32 $0x1000, s19;
	[sflag:s18] =	ssyncadd.s32 $0xFFFFC000  }
0x6d: {  	[hbm4b:s4+s3] =	stream.linear.scatter [tilespmem:s14], [sflag:$0x6], $0x4000, $0x38;
	[tilespmem:$0x15C00] =	vst v63  }
0x6e: {  	_ =	swait.ge [sflag:s31], $0x4000  }
0x6f: {  	[sflag:s31] =	ssyncset.done $0x0  }
0x70: {  	s4 =	sadd.s32 $0x400, s22;
	[sflag:s31] =	ssyncadd.s32 $0xFFFFC000  }
0x71: {  	[tilespmem:s20], [sflag:$0x4] =	stream.indirect.gather [hbm4b:s2+s13], $0x80, s4, s13, $0xb8;
	[tilespmem:$0x15C00] =	vst v63  }
0x72: {  	_ =	swait.ge [sflag:s21], $0x4000  }
0x73: {  	[sflag:s21] =	ssyncset.done $0x0  }
.Ltmp0:
0x74: {  	s4 =	sadd.s32 $0x1800, s19;
	[sflag:s21] =	ssyncadd.s32 $0xFFFFC000;
	(pc) =	sbr.rel @p0 .LBB2_2-.Ltmp0, $4  }
0x75: {  	[hbm4b:s4+s3] =	stream.linear.scatter [tilespmem:s15], [sflag:$0x7], $0x4000, $0x38;
	[tilespmem:$0x15C00] =	vst v63  }
0x76: {  	_ =	swait.ge [sflag:s1], $0x4000  }
0x77: {  	[sflag:s1] =	ssyncset.done $0x0  }
0x78: {  	s22 =	sadd.s32 $0x480, s22;
	s19 =	sadd.s32 $0x2800, s19;
	[sflag:s1] =	ssyncadd.s32 $0xFFFFC000  }
0x79: {  	[tilespmem:s23], [sflag:$0x5] =	stream.indirect.gather [hbm4b:s2+s13], $0x80, s22, s13, $0xb8;
	[tilespmem:$0x15C00] =	vst v63  }
0x7a: {  	_ =	swait.ge [sflag:s24], $0x4000  }
0x7b: {  	[sflag:s24] =	ssyncset.done $0x0  }
0x7c: {  	[sflag:s24] =	ssyncadd.s32 $0xFFFFC000  }
0x7d: {  	[hbm4b:s7+s3] =	stream.linear.scatter [tilespmem:s17], [sflag:$0x8], $0x4000, $0x38;
	[tilespmem:$0x15C00] =	vst v63  }
0x7e: {  	_ =	swait.ge [sflag:s25], $0x4000  }
0x7f: {  	[sflag:s25] =	ssyncset.done $0x0  }
0x80: {  	[sflag:s25] =	ssyncadd.s32 $0xFFFFC000  }
0x81: {  	_ =	swait.ge [sflag:s26], $0x4000  }
0x82: {  	[sflag:s26] =	ssyncset.done $0x0  }
0x83: {  	[sflag:s26] =	ssyncadd.s32 $0xFFFFC000  }
0x84: {  	[hbm4b:s8+s3] =	stream.linear.scatter [tilespmem:s20], [sflag:$0x9], $0x4000, $0x38;
	[tilespmem:$0x15C00] =	vst v63  }
0x85: {  	_ =	swait.ge [sflag:s28], $0x4000  }
0x86: {  	[sflag:s28] =	ssyncset.done $0x0  }
0x87: {  	[sflag:s28] =	ssyncadd.s32 $0xFFFFC000  }
0x88: {  	_ =	swait.ge [sflag:s29], $0x4000  }
0x89: {  	[sflag:s29] =	ssyncset.done $0x0  }
0x8a: {  	[sflag:s29] =	ssyncadd.s32 $0xFFFFC000  }
0x8b: {  	[hbm4b:s9+s3] =	stream.linear.scatter [tilespmem:s23], [sflag:$0xA], $0x4000, $0x38;
	[tilespmem:$0x15C00] =	vst v63  }
0x8c: {  	_ =	swait.ge [sflag:s30], $0x4000  }
0x8d: {  	[sflag:s30] =	ssyncset.done $0x0  }
0x8e: {  	s0 =	sadd.s32 $0x1, s0;
	[sflag:s30] =	ssyncadd.s32 $0xFFFFC000  }
0x8f: {  	p0 =	sne.s32 s0, s10;
	_ =	swait.ge [sflag:s31], $0x4000  }
.Ltmp1:
0x90: {  	[sflag:s31] =	ssyncset.done $0x0;
	(pc) =	sbr.rel @p0 .LBB2_1-.Ltmp1, $4  }
0x91: {  	[sflag:s31] =	ssyncadd.s32 $0xFFFFC000  }
0x92: {  	_ =	swait.ge [sflag:s1], $0x4000  }
0x93: {  	[sflag:s1] =	ssyncset.done $0x0  }
0x94: {  	[sflag:s1] =	ssyncadd.s32 $0xFFFFC000  }
0x95: {  	_ =	sfence.sel $0x180000  }
0x96: {  	[bflag:$0x0] =	sbarrier.arrive $0xFFFF  }
0x97: {  	_ =	strace $0x90000047  }
0x98: {  	s0 =	stileid.u32;
	[bflag:$0x2] =	sbarrier.arrive $0xFFFF  }
0x99: {  	p0 =	sne.s32 s0, $0x0;
	s0 =	rddreg [dreg:$0x3]  }
0x9a: {  	s0 =	sadd.s32 @!p0 $0x100000, s0  }
0x9b: {  	[sflag:s0] =	ssyncadd.tile.s32 @!p0 $0x1;
	_ =	shalt  }
.Lfunc_end2:
_tile_overlayer_lowered:
.L_overlay_start_2:
0x9c: {  	(tag) =	ssettag $0x2  }
0x9d: {  	s0 =	rddreg [dreg:$0x0];
	s2 =	stileid.u32  }
0x9e: {  	s1 =	rddreg [dreg:$0x1];
	p0 =	sne.s32 s2, $0x0  }
0x9f: {  	s3 =	rddreg [dreg:$0x2];
	[bflag:$0x3] =	sbarrier.arrive $0xFFFF;
	s2 =	simm.s32 @!p0 $0x1C0B  }
0xa0: {  	[timem:s3], [sflag:s2] =	dma.local @!p0 [hbm:s0], s1  }
0xa1: {  	s0 =	simm.s32 @!p0 $0xB  }
0xa2: {  	_ =	swait.ge @!p0 [sflag:s0], s1  }
0xa3: {  	s1 =	ssub.s32 @!p0 $0x0, s1;
	[sflag:s0] =	ssyncset.done @!p0 $0x0  }
0xa4: {  	[sflag:s0] =	ssyncadd.s32 @!p0 s1  }
0xa5: {  	[bflag:$0x3] =	sbarrier.arrive $0xFFFF  }
0xa6: {  	_ =	shalt  }

</sc_bundles>
